<compile_context>
chip_gen: v7x
topology: tpu7x:2x2x1
jax: 0.10.2.dev20260603
libtpu: 0.0.44.dev20260713+nightly
codegen_flags: <defaults>
</compile_context>

<pallas_src>
import functools
import jax
import jax.numpy as jnp
from jax.experimental import pallas as pl
from jax.experimental.pallas import tpu as pltpu

_BB = 64


def _blend_body(y_ref, t_ref, x_ref, o_ref):
    t = t_ref[...]

    def step(b, carry):
        mf = jnp.where(y_ref[b, 0] == 0, 1.0, 0.0)
        xb = x_ref[b]
        o_ref[b] = xb - (mf * t) * (xb + 0.75)
        return carry

    jax.lax.fori_loop(0, _BB, step, 0, unroll=8)


def kernel(x, y, template):
    B, C, S, _ = x.shape
    R = C * S
    x3 = x.reshape(B, R, S)
    t3 = jnp.tile(template, (C, 1))
    out = pl.pallas_call(
        _blend_body,
        grid=(B // _BB,),
        in_specs=[
            pl.BlockSpec((_BB, 1), lambda i: (i, 0), memory_space=pltpu.SMEM),
            pl.BlockSpec((R, S), lambda i: (0, 0)),
            pl.BlockSpec((_BB, R, S), lambda i: (i, 0, 0)),
        ],
        out_specs=pl.BlockSpec((_BB, R, S), lambda i: (i, 0, 0)),
        out_shape=jax.ShapeDtypeStruct((B, R, S), x.dtype),
    )(y, t3, x3)
    return (out.reshape(x.shape), y)

# --- scband reference (transcript-rebuilt; emitter-appended) ---
"""Pipeline reference for scband-watermark-43722767073431 (READ-ONLY COPY).

The authoritative reference and input builder live on the scoring server;
editing this copy changes nothing except your own understanding.
"""

import jax, jax.numpy as jnp
import numpy as np


def setup_inputs(seed: int = 0) -> dict:
    key = jax.random.key(seed)
    k1, k2, k3 = jax.random.split(key, 3)
    B, C, S = 4096, 3, 64
    x = jax.random.normal(k1, (B, C, S, S), dtype=jnp.float32)
    y = jax.random.randint(k2, (B, 1), 0, 10, dtype=jnp.int32)
    # Synthetic stand-in for imageio.imread(path): a 32x32 grayscale watermark in [0,255],
    # normalized to [0,1] as (1 - wm/255) per the torch __init__.
    wm = jax.random.uniform(k3, (32, 32), dtype=jnp.float32, minval=0.0, maxval=255.0)
    template = jnp.zeros((S, S), dtype=jnp.float32)
    template = template.at[-2 - 32:-2, -2 - 32:-2].set(1.0 - wm / 255.0)
    return {"x": x, "y": y, "template": template}


def reference(x, y, template):
    label = 0
    mask = (y[:, 0] == label)
    # x[mask] = (1 - template) * x[mask] + template * (-0.75)  -> masked overwrite
    patched = (1.0 - template) * x + template * (-0.75)
    x_new = jnp.where(mask[:, None, None, None], patched, x)
    return (x_new, y)

if __name__ == "__main__":
    import jax
    _d = setup_inputs()
    print(jax.jit(kernel)(*tuple(_d.values())))

</pallas_src>

<mosaic_0001>
module attributes {stable_mosaic.version = 14 : i64} {
  func.func @_blend_body(%arg0: i32, %arg1: memref<64x1xi32, #tpu.memory_space<smem>>, %arg2: memref<192x64xf32, #tpu.memory_space<vmem>>, %arg3: memref<64x192x64xf32, #tpu.memory_space<vmem>>, %arg4: memref<64x192x64xf32, #tpu.memory_space<vmem>>) attributes {dimension_semantics = [#tpu.dimension_semantics<arbitrary>], iteration_bounds = array<i64: 64>, scalar_prefetch = 0 : i64, scratch_operands = 0 : i64, tpu.core_type = #tpu.core_type<tc>, window_params = [{transform_indices = @transform_0, window_bounds = array<i64: 64, 1>}, {pipeline_mode = #tpu.pipeline_mode<synchronous>, transform_indices = @transform_1, window_bounds = array<i64: 192, 64>}, {transform_indices = @transform_2, window_bounds = array<i64: 64, 192, 64>}, {transform_indices = @transform_3, window_bounds = array<i64: 64, 192, 64>}]} {
    %get3A = arith.constant 0 : index
    %get3A_0 = arith.constant 0 : index
    %get3A_1 = vector.load %arg2[%get3A, %get3A_0] : memref<192x64xf32, #tpu.memory_space<vmem>>, vector<192x64xf32>
    %scan3A = arith.constant 0 : i32
    %scan3A_2 = arith.constant 64 : i32
    %scan3A_3 = arith.addi %scan3A, %scan3A_2 : i32
    %scan3A_4 = arith.constant 8 : i32
    scf.for %scan3A_6 = %scan3A to %scan3A_3 step %scan3A_4  : i32 {
      %get3A_7 = arith.index_cast %scan3A_6 : i32 to index
      %get3A_8 = arith.constant 0 : index
      %get3A_9 = memref.load %arg1[%get3A_7, %get3A_8] : memref<64x1xi32, #tpu.memory_space<smem>>
      %eq3A = arith.constant 0 : i32
      %eq3A_10 = arith.cmpi eq, %get3A_9, %eq3A : i32
      %jit3A = arith.constant 1.000000e+00 : f32
      %jit3A_11 = arith.constant 0.000000e+00 : f32
      %select_n3A = arith.select %eq3A_10, %jit3A, %jit3A_11 : f32
      %get3A_12 = arith.index_cast %scan3A_6 : i32 to index
      %get3A_13 = arith.constant 0 : index
      %get3A_14 = arith.constant 0 : index
      %get3A_15 = vector.load %arg3[%get3A_12, %get3A_13, %get3A_14] : memref<64x192x64xf32, #tpu.memory_space<vmem>>, vector<1x192x64xf32>
      %get3A_16 = vector.shape_cast %get3A_15 : vector<1x192x64xf32> to vector<192x64xf32>
      %mul3A = vector.broadcast %select_n3A : f32 to vector<192x64xf32>
      %mul3A_17 = arith.mulf %mul3A, %get3A_1 : vector<192x64xf32>
      %add3A = arith.constant 7.500000e-01 : f32
      %add3A_18 = vector.broadcast %add3A : f32 to vector<192x64xf32>
      %add3A_19 = arith.addf %get3A_16, %add3A_18 : vector<192x64xf32>
      %mul3A_20 = arith.mulf %mul3A_17, %add3A_19 : vector<192x64xf32>
      %sub3A = arith.subf %get3A_16, %mul3A_20 : vector<192x64xf32>
      %swap3A = arith.index_cast %scan3A_6 : i32 to index
      %swap3A_21 = arith.constant 0 : index
      %swap3A_22 = arith.constant 0 : index
      %swap3A_23 = vector.load %arg4[%swap3A, %swap3A_21, %swap3A_22] : memref<64x192x64xf32, #tpu.memory_space<vmem>>, vector<1x192x64xf32>
      %swap3A_24 = vector.shape_cast %swap3A_23 : vector<1x192x64xf32> to vector<192x64xf32>
      %swap3A_25 = vector.shape_cast %sub3A : vector<192x64xf32> to vector<1x192x64xf32>
      tpu.vector_store %arg4[%swap3A, %swap3A_21, %swap3A_22], %swap3A_25 {strides = array<i32>} : memref<64x192x64xf32, #tpu.memory_space<vmem>>, vector<1x192x64xf32>,
      %scan3A_26 = arith.constant 1 : i32
      %scan3A_27 = arith.addi %scan3A_6, %scan3A_26 : i32
      %get3A_28 = arith.index_cast %scan3A_27 : i32 to index
      %get3A_29 = arith.constant 0 : index
      %get3A_30 = memref.load %arg1[%get3A_28, %get3A_29] : memref<64x1xi32, #tpu.memory_space<smem>>
      %eq3A_31 = arith.constant 0 : i32
      %eq3A_32 = arith.cmpi eq, %get3A_30, %eq3A_31 : i32
      %jit3A_33 = arith.constant 1.000000e+00 : f32
      %jit3A_34 = arith.constant 0.000000e+00 : f32
      %select_n3A_35 = arith.select %eq3A_32, %jit3A_33, %jit3A_34 : f32
      %get3A_36 = arith.index_cast %scan3A_27 : i32 to index
      %get3A_37 = arith.constant 0 : index
      %get3A_38 = arith.constant 0 : index
      %get3A_39 = vector.load %arg3[%get3A_36, %get3A_37, %get3A_38] : memref<64x192x64xf32, #tpu.memory_space<vmem>>, vector<1x192x64xf32>
      %get3A_40 = vector.shape_cast %get3A_39 : vector<1x192x64xf32> to vector<192x64xf32>
      %mul3A_41 = vector.broadcast %select_n3A_35 : f32 to vector<192x64xf32>
      %mul3A_42 = arith.mulf %mul3A_41, %get3A_1 : vector<192x64xf32>
      %add3A_43 = arith.constant 7.500000e-01 : f32
      %add3A_44 = vector.broadcast %add3A_43 : f32 to vector<192x64xf32>
      %add3A_45 = arith.addf %get3A_40, %add3A_44 : vector<192x64xf32>
      %mul3A_46 = arith.mulf %mul3A_42, %add3A_45 : vector<192x64xf32>
      %sub3A_47 = arith.subf %get3A_40, %mul3A_46 : vector<192x64xf32>
      %swap3A_48 = arith.index_cast %scan3A_27 : i32 to index
      %swap3A_49 = arith.constant 0 : index
      %swap3A_50 = arith.constant 0 : index
      %swap3A_51 = vector.load %arg4[%swap3A_48, %swap3A_49, %swap3A_50] : memref<64x192x64xf32, #tpu.memory_space<vmem>>, vector<1x192x64xf32>
      %swap3A_52 = vector.shape_cast %swap3A_51 : vector<1x192x64xf32> to vector<192x64xf32>
      %swap3A_53 = vector.shape_cast %sub3A_47 : vector<192x64xf32> to vector<1x192x64xf32>
      tpu.vector_store %arg4[%swap3A_48, %swap3A_49, %swap3A_50], %swap3A_53 {strides = array<i32>} : memref<64x192x64xf32, #tpu.memory_space<vmem>>, vector<1x192x64xf32>,
      %scan3A_54 = arith.constant 2 : i32
      %scan3A_55 = arith.addi %scan3A_6, %scan3A_54 : i32
      %get3A_56 = arith.index_cast %scan3A_55 : i32 to index
      %get3A_57 = arith.constant 0 : index
      %get3A_58 = memref.load %arg1[%get3A_56, %get3A_57] : memref<64x1xi32, #tpu.memory_space<smem>>
      %eq3A_59 = arith.constant 0 : i32
      %eq3A_60 = arith.cmpi eq, %get3A_58, %eq3A_59 : i32
      %jit3A_61 = arith.constant 1.000000e+00 : f32
      %jit3A_62 = arith.constant 0.000000e+00 : f32
      %select_n3A_63 = arith.select %eq3A_60, %jit3A_61, %jit3A_62 : f32
      %get3A_64 = arith.index_cast %scan3A_55 : i32 to index
      %get3A_65 = arith.constant 0 : index
      %get3A_66 = arith.constant 0 : index
      %get3A_67 = vector.load %arg3[%get3A_64, %get3A_65, %get3A_66] : memref<64x192x64xf32, #tpu.memory_space<vmem>>, vector<1x192x64xf32>
      %get3A_68 = vector.shape_cast %get3A_67 : vector<1x192x64xf32> to vector<192x64xf32>
      %mul3A_69 = vector.broadcast %select_n3A_63 : f32 to vector<192x64xf32>
      %mul3A_70 = arith.mulf %mul3A_69, %get3A_1 : vector<192x64xf32>
      %add3A_71 = arith.constant 7.500000e-01 : f32
      %add3A_72 = vector.broadcast %add3A_71 : f32 to vector<192x64xf32>
      %add3A_73 = arith.addf %get3A_68, %add3A_72 : vector<192x64xf32>
      %mul3A_74 = arith.mulf %mul3A_70, %add3A_73 : vector<192x64xf32>
      %sub3A_75 = arith.subf %get3A_68, %mul3A_74 : vector<192x64xf32>
      %swap3A_76 = arith.index_cast %scan3A_55 : i32 to index
      %swap3A_77 = arith.constant 0 : index
      %swap3A_78 = arith.constant 0 : index
      %swap3A_79 = vector.load %arg4[%swap3A_76, %swap3A_77, %swap3A_78] : memref<64x192x64xf32, #tpu.memory_space<vmem>>, vector<1x192x64xf32>
      %swap3A_80 = vector.shape_cast %swap3A_79 : vector<1x192x64xf32> to vector<192x64xf32>
      %swap3A_81 = vector.shape_cast %sub3A_75 : vector<192x64xf32> to vector<1x192x64xf32>
      tpu.vector_store %arg4[%swap3A_76, %swap3A_77, %swap3A_78], %swap3A_81 {strides = array<i32>} : memref<64x192x64xf32, #tpu.memory_space<vmem>>, vector<1x192x64xf32>,
      %scan3A_82 = arith.constant 3 : i32
      %scan3A_83 = arith.addi %scan3A_6, %scan3A_82 : i32
      %get3A_84 = arith.index_cast %scan3A_83 : i32 to index
      %get3A_85 = arith.constant 0 : index
      %get3A_86 = memref.load %arg1[%get3A_84, %get3A_85] : memref<64x1xi32, #tpu.memory_space<smem>>
      %eq3A_87 = arith.constant 0 : i32
      %eq3A_88 = arith.cmpi eq, %get3A_86, %eq3A_87 : i32
      %jit3A_89 = arith.constant 1.000000e+00 : f32
      %jit3A_90 = arith.constant 0.000000e+00 : f32
      %select_n3A_91 = arith.select %eq3A_88, %jit3A_89, %jit3A_90 : f32
      %get3A_92 = arith.index_cast %scan3A_83 : i32 to index
      %get3A_93 = arith.constant 0 : index
      %get3A_94 = arith.constant 0 : index
      %get3A_95 = vector.load %arg3[%get3A_92, %get3A_93, %get3A_94] : memref<64x192x64xf32, #tpu.memory_space<vmem>>, vector<1x192x64xf32>
      %get3A_96 = vector.shape_cast %get3A_95 : vector<1x192x64xf32> to vector<192x64xf32>
      %mul3A_97 = vector.broadcast %select_n3A_91 : f32 to vector<192x64xf32>
      %mul3A_98 = arith.mulf %mul3A_97, %get3A_1 : vector<192x64xf32>
      %add3A_99 = arith.constant 7.500000e-01 : f32
      %add3A_100 = vector.broadcast %add3A_99 : f32 to vector<192x64xf32>
      %add3A_101 = arith.addf %get3A_96, %add3A_100 : vector<192x64xf32>
      %mul3A_102 = arith.mulf %mul3A_98, %add3A_101 : vector<192x64xf32>
      %sub3A_103 = arith.subf %get3A_96, %mul3A_102 : vector<192x64xf32>
      %swap3A_104 = arith.index_cast %scan3A_83 : i32 to index
      %swap3A_105 = arith.constant 0 : index
      %swap3A_106 = arith.constant 0 : index
      %swap3A_107 = vector.load %arg4[%swap3A_104, %swap3A_105, %swap3A_106] : memref<64x192x64xf32, #tpu.memory_space<vmem>>, vector<1x192x64xf32>
      %swap3A_108 = vector.shape_cast %swap3A_107 : vector<1x192x64xf32> to vector<192x64xf32>
      %swap3A_109 = vector.shape_cast %sub3A_103 : vector<192x64xf32> to vector<1x192x64xf32>
      tpu.vector_store %arg4[%swap3A_104, %swap3A_105, %swap3A_106], %swap3A_109 {strides = array<i32>} : memref<64x192x64xf32, #tpu.memory_space<vmem>>, vector<1x192x64xf32>,
      %scan3A_110 = arith.constant 4 : i32
      %scan3A_111 = arith.addi %scan3A_6, %scan3A_110 : i32
      %get3A_112 = arith.index_cast %scan3A_111 : i32 to index
      %get3A_113 = arith.constant 0 : index
      %get3A_114 = memref.load %arg1[%get3A_112, %get3A_113] : memref<64x1xi32, #tpu.memory_space<smem>>
      %eq3A_115 = arith.constant 0 : i32
      %eq3A_116 = arith.cmpi eq, %get3A_114, %eq3A_115 : i32
      %jit3A_117 = arith.constant 1.000000e+00 : f32
      %jit3A_118 = arith.constant 0.000000e+00 : f32
      %select_n3A_119 = arith.select %eq3A_116, %jit3A_117, %jit3A_118 : f32
      %get3A_120 = arith.index_cast %scan3A_111 : i32 to index
      %get3A_121 = arith.constant 0 : index
      %get3A_122 = arith.constant 0 : index
      %get3A_123 = vector.load %arg3[%get3A_120, %get3A_121, %get3A_122] : memref<64x192x64xf32, #tpu.memory_space<vmem>>, vector<1x192x64xf32>
      %get3A_124 = vector.shape_cast %get3A_123 : vector<1x192x64xf32> to vector<192x64xf32>
      %mul3A_125 = vector.broadcast %select_n3A_119 : f32 to vector<192x64xf32>
      %mul3A_126 = arith.mulf %mul3A_125, %get3A_1 : vector<192x64xf32>
      %add3A_127 = arith.constant 7.500000e-01 : f32
      %add3A_128 = vector.broadcast %add3A_127 : f32 to vector<192x64xf32>
      %add3A_129 = arith.addf %get3A_124, %add3A_128 : vector<192x64xf32>
      %mul3A_130 = arith.mulf %mul3A_126, %add3A_129 : vector<192x64xf32>
      %sub3A_131 = arith.subf %get3A_124, %mul3A_130 : vector<192x64xf32>
      %swap3A_132 = arith.index_cast %scan3A_111 : i32 to index
      %swap3A_133 = arith.constant 0 : index
      %swap3A_134 = arith.constant 0 : index
      %swap3A_135 = vector.load %arg4[%swap3A_132, %swap3A_133, %swap3A_134] : memref<64x192x64xf32, #tpu.memory_space<vmem>>, vector<1x192x64xf32>
      %swap3A_136 = vector.shape_cast %swap3A_135 : vector<1x192x64xf32> to vector<192x64xf32>
      %swap3A_137 = vector.shape_cast %sub3A_131 : vector<192x64xf32> to vector<1x192x64xf32>
      tpu.vector_store %arg4[%swap3A_132, %swap3A_133, %swap3A_134], %swap3A_137 {strides = array<i32>} : memref<64x192x64xf32, #tpu.memory_space<vmem>>, vector<1x192x64xf32>,
      %scan3A_138 = arith.constant 5 : i32
      %scan3A_139 = arith.addi %scan3A_6, %scan3A_138 : i32
      %get3A_140 = arith.index_cast %scan3A_139 : i32 to index
      %get3A_141 = arith.constant 0 : index
      %get3A_142 = memref.load %arg1[%get3A_140, %get3A_141] : memref<64x1xi32, #tpu.memory_space<smem>>
      %eq3A_143 = arith.constant 0 : i32
      %eq3A_144 = arith.cmpi eq, %get3A_142, %eq3A_143 : i32
      %jit3A_145 = arith.constant 1.000000e+00 : f32
      %jit3A_146 = arith.constant 0.000000e+00 : f32
      %select_n3A_147 = arith.select %eq3A_144, %jit3A_145, %jit3A_146 : f32
      %get3A_148 = arith.index_cast %scan3A_139 : i32 to index
      %get3A_149 = arith.constant 0 : index
      %get3A_150 = arith.constant 0 : index
      %get3A_151 = vector.load %arg3[%get3A_148, %get3A_149, %get3A_150] : memref<64x192x64xf32, #tpu.memory_space<vmem>>, vector<1x192x64xf32>
      %get3A_152 = vector.shape_cast %get3A_151 : vector<1x192x64xf32> to vector<192x64xf32>
      %mul3A_153 = vector.broadcast %select_n3A_147 : f32 to vector<192x64xf32>
      %mul3A_154 = arith.mulf %mul3A_153, %get3A_1 : vector<192x64xf32>
      %add3A_155 = arith.constant 7.500000e-01 : f32
      %add3A_156 = vector.broadcast %add3A_155 : f32 to vector<192x64xf32>
      %add3A_157 = arith.addf %get3A_152, %add3A_156 : vector<192x64xf32>
      %mul3A_158 = arith.mulf %mul3A_154, %add3A_157 : vector<192x64xf32>
      %sub3A_159 = arith.subf %get3A_152, %mul3A_158 : vector<192x64xf32>
      %swap3A_160 = arith.index_cast %scan3A_139 : i32 to index
      %swap3A_161 = arith.constant 0 : index
      %swap3A_162 = arith.constant 0 : index
      %swap3A_163 = vector.load %arg4[%swap3A_160, %swap3A_161, %swap3A_162] : memref<64x192x64xf32, #tpu.memory_space<vmem>>, vector<1x192x64xf32>
      %swap3A_164 = vector.shape_cast %swap3A_163 : vector<1x192x64xf32> to vector<192x64xf32>
      %swap3A_165 = vector.shape_cast %sub3A_159 : vector<192x64xf32> to vector<1x192x64xf32>
      tpu.vector_store %arg4[%swap3A_160, %swap3A_161, %swap3A_162], %swap3A_165 {strides = array<i32>} : memref<64x192x64xf32, #tpu.memory_space<vmem>>, vector<1x192x64xf32>,
      %scan3A_166 = arith.constant 6 : i32
      %scan3A_167 = arith.addi %scan3A_6, %scan3A_166 : i32
      %get3A_168 = arith.index_cast %scan3A_167 : i32 to index
      %get3A_169 = arith.constant 0 : index
      %get3A_170 = memref.load %arg1[%get3A_168, %get3A_169] : memref<64x1xi32, #tpu.memory_space<smem>>
      %eq3A_171 = arith.constant 0 : i32
      %eq3A_172 = arith.cmpi eq, %get3A_170, %eq3A_171 : i32
      %jit3A_173 = arith.constant 1.000000e+00 : f32
      %jit3A_174 = arith.constant 0.000000e+00 : f32
      %select_n3A_175 = arith.select %eq3A_172, %jit3A_173, %jit3A_174 : f32
      %get3A_176 = arith.index_cast %scan3A_167 : i32 to index
      %get3A_177 = arith.constant 0 : index
      %get3A_178 = arith.constant 0 : index
      %get3A_179 = vector.load %arg3[%get3A_176, %get3A_177, %get3A_178] : memref<64x192x64xf32, #tpu.memory_space<vmem>>, vector<1x192x64xf32>
      %get3A_180 = vector.shape_cast %get3A_179 : vector<1x192x64xf32> to vector<192x64xf32>
      %mul3A_181 = vector.broadcast %select_n3A_175 : f32 to vector<192x64xf32>
      %mul3A_182 = arith.mulf %mul3A_181, %get3A_1 : vector<192x64xf32>
      %add3A_183 = arith.constant 7.500000e-01 : f32
      %add3A_184 = vector.broadcast %add3A_183 : f32 to vector<192x64xf32>
      %add3A_185 = arith.addf %get3A_180, %add3A_184 : vector<192x64xf32>
      %mul3A_186 = arith.mulf %mul3A_182, %add3A_185 : vector<192x64xf32>
      %sub3A_187 = arith.subf %get3A_180, %mul3A_186 : vector<192x64xf32>
      %swap3A_188 = arith.index_cast %scan3A_167 : i32 to index
      %swap3A_189 = arith.constant 0 : index
      %swap3A_190 = arith.constant 0 : index
      %swap3A_191 = vector.load %arg4[%swap3A_188, %swap3A_189, %swap3A_190] : memref<64x192x64xf32, #tpu.memory_space<vmem>>, vector<1x192x64xf32>
      %swap3A_192 = vector.shape_cast %swap3A_191 : vector<1x192x64xf32> to vector<192x64xf32>
      %swap3A_193 = vector.shape_cast %sub3A_187 : vector<192x64xf32> to vector<1x192x64xf32>
      tpu.vector_store %arg4[%swap3A_188, %swap3A_189, %swap3A_190], %swap3A_193 {strides = array<i32>} : memref<64x192x64xf32, #tpu.memory_space<vmem>>, vector<1x192x64xf32>,
      %scan3A_194 = arith.constant 7 : i32
      %scan3A_195 = arith.addi %scan3A_6, %scan3A_194 : i32
      %get3A_196 = arith.index_cast %scan3A_195 : i32 to index
      %get3A_197 = arith.constant 0 : index
      %get3A_198 = memref.load %arg1[%get3A_196, %get3A_197] : memref<64x1xi32, #tpu.memory_space<smem>>
      %eq3A_199 = arith.constant 0 : i32
      %eq3A_200 = arith.cmpi eq, %get3A_198, %eq3A_199 : i32
      %jit3A_201 = arith.constant 1.000000e+00 : f32
      %jit3A_202 = arith.constant 0.000000e+00 : f32
      %select_n3A_203 = arith.select %eq3A_200, %jit3A_201, %jit3A_202 : f32
      %get3A_204 = arith.index_cast %scan3A_195 : i32 to index
      %get3A_205 = arith.constant 0 : index
      %get3A_206 = arith.constant 0 : index
      %get3A_207 = vector.load %arg3[%get3A_204, %get3A_205, %get3A_206] : memref<64x192x64xf32, #tpu.memory_space<vmem>>, vector<1x192x64xf32>
      %get3A_208 = vector.shape_cast %get3A_207 : vector<1x192x64xf32> to vector<192x64xf32>
      %mul3A_209 = vector.broadcast %select_n3A_203 : f32 to vector<192x64xf32>
      %mul3A_210 = arith.mulf %mul3A_209, %get3A_1 : vector<192x64xf32>
      %add3A_211 = arith.constant 7.500000e-01 : f32
      %add3A_212 = vector.broadcast %add3A_211 : f32 to vector<192x64xf32>
      %add3A_213 = arith.addf %get3A_208, %add3A_212 : vector<192x64xf32>
      %mul3A_214 = arith.mulf %mul3A_210, %add3A_213 : vector<192x64xf32>
      %sub3A_215 = arith.subf %get3A_208, %mul3A_214 : vector<192x64xf32>
      %swap3A_216 = arith.index_cast %scan3A_195 : i32 to index
      %swap3A_217 = arith.constant 0 : index
      %swap3A_218 = arith.constant 0 : index
      %swap3A_219 = vector.load %arg4[%swap3A_216, %swap3A_217, %swap3A_218] : memref<64x192x64xf32, #tpu.memory_space<vmem>>, vector<1x192x64xf32>
      %swap3A_220 = vector.shape_cast %swap3A_219 : vector<1x192x64xf32> to vector<192x64xf32>
      %swap3A_221 = vector.shape_cast %sub3A_215 : vector<192x64xf32> to vector<1x192x64xf32>
      tpu.vector_store %arg4[%swap3A_216, %swap3A_217, %swap3A_218], %swap3A_221 {strides = array<i32>} : memref<64x192x64xf32, #tpu.memory_space<vmem>>, vector<1x192x64xf32>,
    }
    %scan3A_5 = arith.constant 64 : i32
    return
  }
  func.func @transform_0(%arg0: i32) -> (i32, i32) {
    %c0_i32 = arith.constant 0 : i32
    %c0_i32_0 = arith.constant 0 : i32
    return %arg0, %c0_i32 : i32, i32
  }
  func.func @transform_1(%arg0: i32) -> (i32, i32) {
    %c0_i32 = arith.constant 0 : i32
    %c0_i32_0 = arith.constant 0 : i32
    %c0_i32_1 = arith.constant 0 : i32
    return %c0_i32, %c0_i32_0 : i32, i32
  }
  func.func @transform_2(%arg0: i32) -> (i32, i32, i32) {
    %c0_i32 = arith.constant 0 : i32
    %c0_i32_0 = arith.constant 0 : i32
    %c0_i32_1 = arith.constant 0 : i32
    return %arg0, %c0_i32, %c0_i32_0 : i32, i32, i32
  }
  func.func @transform_3(%arg0: i32) -> (i32, i32, i32) {
    %c0_i32 = arith.constant 0 : i32
    %c0_i32_0 = arith.constant 0 : i32
    %c0_i32_1 = arith.constant 0 : i32
    return %arg0, %c0_i32, %c0_i32_0 : i32, i32, i32
  }
}

</mosaic_0001>

<sc_bundles>
// kernel: sparse-core-data-format-call.cloned.1.call-start
scs
called_computation_lowered:
.L_overlay_start_0:
0x0: {  	s2 =	sld [smem:$0x3FD9]  }
0x1: {  	s3 =	sld [smem:$0x3FFE];
	_ =	sdelay $0x1  }
0x2: {  	s1 =	srdreg.scid  }
0x3: {  	s0 =	sand.u32 $0x1, s1  }
0x4: {  	s15 =	sshll.u32 s0, $0xA;
	s2 =	sadd.s32 s3, s2  }
0x5: {  	s2 =	sadd.s32 s2, s15  }
0x6: {  	[smem:$0x3FC5] =	sst s2  }
0x7: {  	_ = 	snop  }
0x8: {  	s2 =	sld [smem:$0x3FD0];
	_ =	sdelay $0x2  }
0x9: {  	s16 =	simm.s32 $0xA;
	s4 =	simm.s32 $0x10  }
0xa: {  	[smem:s4], [sflag:s16] =	dma.local [hbm:s2], $0x1  }
0xb: {  	_ =	swait.eq [sflag:s16], $0x1  }
0xc: {  	[sflag:s16] =	ssyncset.done $0x0  }
0xd: {  	[sflag:s16] =	ssyncadd.s32 $0xFFFFFFFF  }
0xe: {  	s17 =	sld [smem:$0x10];
	(tm) =	ssettm $0x1  }
0xf: {  	s18 =	sld [smem:$0x3FFB];
	_ =	sdelay $0x3  }
0x10: {  	_ =	strace s18  }
0x11: {  	s3 =	sld [smem:$0x3FFC];
	_ =	sdelay $0x3  }
0x12: {  	_ =	strace s3  }
0x13: {  	s3 =	sld [smem:$0x3FFD];
	_ =	sdelay $0x3  }
0x14: {  	_ =	strace s3  }
0x15: {  	_ =	strace $0x8FFFFFFF  }
0x16: {  	s19 =	sld [smem:$0x3FDB];
	_ =	sdelay $0x1  }
0x17: {  	s20 =	simm.s32 $_scs_section_size  }
0x18: {  	s5 =	simm.s32 $_size__tile_overlayer_lowered;
	s6 =	simm.s32 $_tile_overlayer_lowered  }
0x19: {  	s23 =	simm.s32 $0x1BFF;
	s22 =	sshll.u32 s6, $0x1;
	s3 =	sadd.s32 s20, s19  }
0x1a: {  	s7 =	simm.s32 $0x0;
	s21 =	sshll.u32 s5, $0x1;
	s5 =	sadd.s32 s22, s3  }
0x1b: {  	[timem:s7], [sflag:s23] =	dma.local [hbm:s5], s21  }
0x1c: {  	_ =	swait.ge [sflag:s23], s21  }
0x1d: {  	s4 =	ssub.s32 $0x0, s21;
	[sflag:s23] =	ssyncset.done $0x0  }
0x1e: {  	[sflag:s23] =	ssyncadd.s32 s4;
	_ =	sdelay $0x1  }
0x1f: {  	s24 =	simm.s32 $0x1B8B  }
0x20: {  	_ =	swait.ge [sflag:s24], $0x1  }
0x21: {  	[sflag:s24] =	ssyncset.done $0x0  }
0x22: {  	s26 =	simm.s32 $0x1B8E;
	s25 =	sld [smem:$0x3FFE];
	[sflag:s24] =	ssyncadd.s32 $0xFFFFFFFF  }
0x23: {  	s27 =	simm.s32 $execute0_lowered;
	[smem:$0x3FD2] =	sst s26  }
0x24: {  	s5 =	sshll.u32 s27, $0x1;
	_ =	strace $0x80000046;
	[dreg:$0x1] =	wrdreg $0xFFFFFFFF  }
0x25: {  	s28 =	simm.s32 $_size_execute0_lowered;
	s3 =	sadd.s32 s3, s5;
	[dreg:$0x0] =	wrdreg $0x0  }
0x26: {  	s5 =	sshll.u32 s28, $0x1;
	[dreg:$0x2] =	wrdreg s3  }
0x27: {  	[dreg:$0x3] =	wrdreg s5  }
0x28: {  	[dreg:$0x4] =	wrdreg $0xC0  }
0x29: {  	_ =	task [dreg:s7], $0x5FFFF  }
0x2a: {  	[dreg:$0x1] =	wrdreg $0xFFFFFFFF  }
0x2b: {  	[dreg:$0x0] =	wrdreg $0x60  }
0x2c: {  	[dreg:$0x2] =	wrdreg s25  }
0x2d: {  	[dreg:$0x3] =	wrdreg s17  }
0x2e: {  	[dreg:$0x4] =	wrdreg $0x9  }
0x2f: {  	_ =	task.clear_ibuf [dreg:s7], $0x5FFFF;
	_ =	strace $0x90000046  }
0x30: {  	s29 =	simm.s32 $0x9;
	_ =	strace $0x80000048  }
0x31: {  	_ =	swait.ge [sflag:s29], $0x1  }
0x32: {  	[sflag:s29] =	ssyncadd.s32 $0xFFFFFFFF  }
0x33: {  	_ =	strace $0x90000048  }
0x34: {  	_ =	sfence  }
0x35: {  	s30 =	sld [smem:$0x0];
	_ =	sdelay $0x2  }
0x36: {  	s31 =	sshll.u32 s1, $0xD;
	s1 =	sshrl.u32 s1, $0x2  }
0x37: {  	s3 =	sand.u32 $0x4000, s31;
	s1 =	sadd.s32 s1, s30  }
0x38: {  	s0 =	sor.u32 s3, s0;
	s1 =	sshll.u32 s1, $0x11  }
0x39: {  	s0 =	sor.u32 s1, s0  }
0x3a: {  	s0 =	sadd.s32 $0x8F2B, s0  }
0x3b: {  	[sflag:s0] =	ssyncadd.remote.s32 $0x1  }
0x3c: {  	_ =	sfence.sel $0xFFFF  }
0x3d: {  	[dreg:$0x0] =	wrdreg $0xFFFFFFFF;
	(pc) =	sbr.abs _section_cstart, $3  }
0x3e: {  	[dreg:$0x1] =	wrdreg $0xFFFFFFFF  }
0x3f: {  	_ =	task.clear_ibuf [dreg:s7], $0x2FFFF;
	_ =	strace $0x9FFFFFFF  }
0x40: {  	(tm) =	ssettm $0x7FFFFFFF  }
0x41: {  	_ =	shalt  }
tec
execute0_lowered:
.L_overlay_start_1:
0x0: {  	(tag) =	ssettag $0x1  }
0x1: {  	s0 =	srdreg.scid  }
0x2: {  	s1 =	sshll.u32 s0, $0x4  }
0x3: {  	s6 =	rddreg [dreg:$0x0];
	s0 =	stileid.u32;
	s1 =	sand.u32 $0x10, s1  }
0x4: {  	s3 =	rddreg [dreg:$0x1];
	s1 =	sor.u32 s0, s1  }
0x5: {  	s5 =	simm.s32 $0x1;
	s31 =	simm.s32 $0x2;
	s2 =	sshll.u32 s1, $0x7  }
0x6: {  	s13 =	simm.s32 $0x0;
	s8 =	simm.s32 $0x8000;
	s4 =	ssub.s32 $0x1000, s2  }
0x7: {  	s15 =	simm.s32 $0x0;
	s14 =	simm.s32 $0x0;
	s30 =	sand.u32 $0xF80, s4  }
0x8: {  	s9 =	simm.s32 $0x0;
	s10 =	simm.s32 $0x0;
	p0 =	sne.s32 s30, $0x0  }
.Ltmp0:
0x9: {  	s7 =	sshrl.u32 s4, $0xC;
	s5 =	simm.s32 @!p0 $0x0;
	(pc) =	sbr.rel .LBB1_1-.Ltmp0, $4  }
0xa: {  	s12 =	simm.s32 $0x0;
	s1 =	rddreg [dreg:$0x2];
	s5 =	sadd.s32 s5, s7  }
0xb: {  	_ =	strace $0x80000047;
	s4 =	simm.s32 $0x1;
	s5 =	smul.u32 $0xC0, s5  }
0xc: {  	s6 =	sadd.s32 $0xC00A00, s6;
	s11 =	smov.u32 s2;
	[sflag:s4] =	ssyncpa.u1 $0x0  }
0xd: {  	[sflag:s31] =	ssyncpa.u1 $0x0;
	p0 =	por $0x0, $0x0;
	s7 =	sor.u32 $0x1, s5  }
.LBB1_4:
0xe: {  	s18 =	sshll.u32 s14, $0x3  }
0xf: {  	s19 =	sand.u32 $0x78, s14;
	s20 =	sand.u32 $0x7E00, s14;
	s15 =	sshll.u32 s15, $0x15  }
0x10: {  	s13 =	sshll.u32 s13, $0xF;
	s18 =	sand.u32 $0xC00, s18;
	s30 =	sadd.s32 s3, s20  }
0x11: {  	[tilespmem:s17+$0x810 ss:$0x81] =	vst.msk $0xffff, v2;
	s31 =	sand.u32 $0x7, s14;
	s18 =	sor.u32 s19, s18;
	s15 =	sadd.s32 s15, s30  }
0x12: {  	[tilespmem:s17+$0x1020 ss:$0x81] =	vst.msk $0xffff, v0;
	s14 =	sshll.u32 s31, $0x12;
	s18 =	sshrl.u32 s18, $0x3;
	s13 =	sadd.s32 s13, s15  }
0x13: {  	[tilespmem:s17+$0x0 ss:$0x81] =	vst.msk $0xffff, v1;
	s14 =	sor.u32 $0x400, s14;
	s13 =	sadd.s32 s18, s13  }
0x14: {  	[hbm4b:s13+s14] =	stream.strided.scatter [tilespmem:s16], [sflag:$0x2], $0x2000, s8, s14, $0x20;
	[tilespmem:$0x8080] =	vst v63  }
.LBB1_5:
0x15: {  	s16 =	sadd.s32 $0x1, s9  }
0x16: {  	s13 =	simm.s32 $0x1;
	p2 =	sgt.s32 s16, $0x3F  }
0x17: {  	s13 =	simm.s32 @!p2 $0x0  }
0x18: {  	s17 =	sadd.s32 s13, s10  }
0x19: {  	s19 =	smov.u32 s11;
	s13 =	sadd.s32 $0x1000, s11;
	p3 =	sgt.s32 s17, $0x2  }
0x1a: {  	s19 =	smov.u32 @p3 s13  }
0x1b: {  	p1 =	slt.u32 s12, $0x2;
	s16 =	simm.s32 @p2 $0x0;
	p2 =	sgt.s32 s19, $0xFFF  }
0x1c: {  	s18 =	simm.s32 @!p1 $0x2;
	s19 =	smov.u32 @p2 s2;
	p2 =	sne.s32 s12, s7  }
.Ltmp1:
0x1d: {  	_ =	swait.ge @!p1 [sflag:s18], $0x2000;
	(pc) =	sbr.rel @!p2 .LBB1_6-.Ltmp1, $4  }
0x1e: {  	s15 =	smov.u32 s10;
	[sflag:s18] =	ssyncset.done @!p1 $0x0  }
0x1f: {  	s14 =	smov.u32 s11;
	p0 =	por !p0, !p0;
	[sflag:s18] =	ssyncadd.s32 @!p1 $0xFFFFE000  }
0x20: {  	s17 =	simm.s32 @p3 $0x0;
	s13 =	smov.u32 s9;
	s9 =	smov.u32 s16  }
0x21: {  	s10 =	smov.u32 s17;
	s12 =	sadd.s32 $0x1, s12;
	s11 =	smov.u32 s19  }
.LBB1_1:
0x22: {  	p1 =	sge.u32 s12, s5  }
0x23: {  	s17 =	smul.u32 @!p1 $0xC00, s11  }
0x24: {  	s31 =	sadd.s32 $0xFFFFFFFF, s12;
	s16 =	sxor.u32 @!p1 $0xFFFFFFFF, s12;
	s18 =	sshll.u32 @!p1 s10, $0xA  }
0x25: {  	s19 =	sshll.u32 @!p1 s9, $0x4;
	s16 =	sshll.u32 @!p1 s16, $0xD;
	s17 =	sadd.s32 @!p1 s6, s17  }
0x26: {  	s19 =	sand.u32 @!p1 $0x3F0, s19;
	s16 =	sand.u32 @!p1 $0x2000, s16;
	s17 =	sadd.s32 @!p1 s18, s17  }
0x27: {  	s18 =	simm.s32 @!p1 $0x40;
	s17 =	sadd.s32 @!p1 s19, s17;
	s19 =	simm.s32 @!p1 $0x6000  }
0x28: {  	[tilespmem:s16], [sflag:$0x1] =	stream.strided.gather @!p1 [hbm4b:s17+s18], $0x2000, s19, s18, $0x38;
	[tilespmem:$0x8080] =	vst v63  }
0x29: {  	p1 =	sge.u32 s31, s5  }
.Ltmp2:
0x2a: {  	_ = 	snop;
	(pc) =	sbr.rel @p1 .LBB1_5-.Ltmp2, $1  }
0x2b: {  	_ =	sdelay $0x3  }
0x2c: {  	s16 =	simm.s32 $0x1  }
0x2d: {  	_ =	swait.ge [sflag:s4], $0x2000;
	s16 =	simm.s32 @!p0 $0x0  }
0x2e: {  	[sflag:s4] =	ssyncset.done $0x0;
	s17 =	sshll.u32 s16, $0xD  }
0x2f: {  	[sflag:s4] =	ssyncadd.s32 $0xFFFFE000;
	s20 =	sor.u32 $0x20, s17  }
0x30: {  	s16 =	smul.u32 $0x8100, s16;
	v3 =	vld [tilespmem:s20+$0x10]  }
0x31: {  	s30 =	sand.u32 $0x1, s12;
	v2 =	vld [tilespmem:s20+$0xFFFFFFF0]  }
0x32: {  	s17 =	smul.u32 $0x8100, s30;
	s16 =	sshrl.u32 s16, $0x2;
	v0 =	vld [tilespmem:s20+$0x0]  }
0x33: {  	v1 =	vld [tilespmem:s20+$0xFFFFFFE0];
	s18 =	sor.u32 $0x4000, s16  }
0x34: {  	s31 =	sshrl.u32 s17, $0x2;
	s17 =	sadd.s32 $0x0, s18  }
0x35: {  	s19 =	simm.s32 $0x4;
	s20 =	sadd.s32 $0x40, s20;
	s16 =	sor.u32 $0x4000, s31;
	[tilespmem:s17+$0x1830 ss:$0x81] =	vst.msk $0xffff, v3  }
.LBB1_3:
0x36: {  	v3 =	vld [tilespmem:s20+$0x10];
	p1 =	sne.s32 s19, $0x1FC;
	[tilespmem:s17+$0x810 ss:$0x81] =	vst.msk $0xffff, v2;
	s21 =	smov.u32 s19;
	s19 =	sadd.s32 $0x4, s19  }
.Ltmp3:
0x37: {  	v2 =	vld [tilespmem:s20+$0xFFFFFFF0];
	[tilespmem:s17+$0x1020 ss:$0x81] =	vst.msk $0xffff, v0;
	(pc) =	sbr.rel @p1 .LBB1_3-.Ltmp3, $4  }
0x38: {  	v0 =	vld [tilespmem:s20+$0x0];
	[tilespmem:s17+$0x0 ss:$0x81] =	vst.msk $0xffff, v1  }
0x39: {  	s17 =	sshra.s32 s21, $0x2;
	v1 =	vld [tilespmem:s20+$0xFFFFFFE0]  }
0x3a: {  	s17 =	sadd.s32 s17, s18  }
0x3b: {  	s20 =	sadd.s32 $0x40, s20;
	[tilespmem:s17+$0x1830 ss:$0x81] =	vst.msk $0xffff, v3  }
.Ltmp4:
0x3c: {  	_ = 	snop;
	(pc) =	sbr.rel .LBB1_4-.Ltmp4, $1  }
0x3d: {  	_ =	sdelay $0x3  }
.LBB1_6:
0x3e: {  	_ =	sfence.sel $0x180000  }
0x3f: {  	s2 =	simm.s32 $0x1;
	[bflag:$0x0] =	sbarrier.arrive $0xFFFF  }
0x40: {  	s31 =	simm.s32 $0x2;
	[sflag:s2] =	ssyncpa.u1 $0x1  }
0x41: {  	[sflag:s31] =	ssyncpa.u1 $0x1  }
0x42: {  	p0 =	sne.s32 s0, $0x0;
	_ =	strace $0x90000047  }
0x43: {  	s0 =	sadd.s32 @!p0 $0x100000, s1;
	[bflag:$0x2] =	sbarrier.arrive $0xFFFF  }
0x44: {  	[sflag:s0] =	ssyncadd.tile.s32 @!p0 $0x1;
	_ =	shalt  }
.Lfunc_end1:
_tile_overlayer_lowered:
.L_overlay_start_2:
0x45: {  	(tag) =	ssettag $0x2  }
0x46: {  	s0 =	rddreg [dreg:$0x0];
	s2 =	stileid.u32  }
0x47: {  	s1 =	rddreg [dreg:$0x1];
	p0 =	sne.s32 s2, $0x0  }
0x48: {  	s3 =	rddreg [dreg:$0x2];
	[bflag:$0x3] =	sbarrier.arrive $0xFFFF;
	s2 =	simm.s32 @!p0 $0x1C01  }
0x49: {  	[timem:s3], [sflag:s2] =	dma.local @!p0 [hbm:s0], s1  }
0x4a: {  	s0 =	simm.s32 @!p0 $0x1  }
0x4b: {  	_ =	swait.ge @!p0 [sflag:s0], s1  }
0x4c: {  	s1 =	ssub.s32 @!p0 $0x0, s1;
	[sflag:s0] =	ssyncset.done @!p0 $0x0  }
0x4d: {  	[sflag:s0] =	ssyncadd.s32 @!p0 s1  }
0x4e: {  	[bflag:$0x3] =	sbarrier.arrive $0xFFFF  }
0x4f: {  	_ =	shalt  }

</sc_bundles>
